<compile_context>
chip_gen: v7x
topology: tpu7x:2x2x1
jax: 0.10.2.dev20260603
libtpu: 0.0.44.dev20260713+nightly
codegen_flags: <defaults>
</compile_context>

<pallas_src>
import functools

import jax
import jax.numpy as jnp
from jax import lax
from jax.experimental import pallas as pl
from jax.experimental.pallas import tpu as pltpu
from jax.experimental.pallas import tpu_sc as plsc

N = 1000
BATCH = 4096
BB = 1024
G = BATCH // BB


def _tc_body(s0_ref, s1_ref, p1_ref, p21_ref, idx_out, part_out, t_scr):
    step = pl.program_id(0)

    @pl.when(step == 0)
    def _():
        p21 = p21_ref[...]
        lse2 = jnp.log(jnp.sum(jnp.exp(p21), axis=0))
        p1 = p1_ref[0, :]
        m1 = jnp.max(p1)
        lse1 = m1 + jnp.log(jnp.sum(jnp.exp(p1 - m1)))
        t_scr[0, :] = p1 - lse1 - lse2

    b0 = s0_ref[...]
    b1 = s1_ref[...]
    iota = lax.broadcasted_iota(jnp.int32, b0.shape, 1)
    mx0 = jnp.max(b0, axis=1, keepdims=True)
    n1 = jnp.min(jnp.where(b0 == mx0, iota, N), axis=1)
    mx1 = jnp.max(b1, axis=1, keepdims=True)
    n2 = jnp.min(jnp.where(b1 == mx1, iota, N), axis=1)

    t = t_scr[0, :]
    part = jnp.sum(jnp.where(iota == n1[:, None], t[None, :], 0.0), axis=1)
    idx_out[0, 0, :] = n2 * N + n1
    part_out[0, 0, :] = part


def _tc_stage(s0, s1, p1_2d, P_2_1):
    return pl.pallas_call(
        _tc_body,
        grid=(G,),
        in_specs=[
            pl.BlockSpec((BB, N), lambda i: (i, 0)),
            pl.BlockSpec((BB, N), lambda i: (i, 0)),
            pl.BlockSpec((1, N), lambda i: (0, 0)),
            pl.BlockSpec((N, N), lambda i: (0, 0)),
        ],
        out_specs=[
            pl.BlockSpec((1, 1, BB), lambda i: (i, 0, 0)),
            pl.BlockSpec((1, 1, BB), lambda i: (i, 0, 0)),
        ],
        out_shape=[
            jax.ShapeDtypeStruct((G, 1, BB), jnp.int32),
            jax.ShapeDtypeStruct((G, 1, BB), jnp.float32),
        ],
        scratch_shapes=[pltpu.VMEM((1, N), jnp.float32)],
    )(s0, s1, p1_2d, P_2_1)


def _make_sc_gather():
    mesh = plsc.VectorSubcoreMesh(core_axis_name="c", subcore_axis_name="s")
    NW = 32
    CHUNK = BATCH // NW

    @functools.partial(
        pl.kernel,
        mesh=mesh,
        out_type=jax.ShapeDtypeStruct((BATCH,), jnp.float32),
        scratch_types=[
            pltpu.VMEM((CHUNK,), jnp.int32),
            pltpu.VMEM((CHUNK,), jnp.float32),
            pltpu.VMEM((CHUNK,), jnp.float32),
            pltpu.VMEM((CHUNK,), jnp.float32),
            pltpu.SemaphoreType.DMA,
        ],
    )
    def sc_gather(tab_hbm, idx_hbm, part_hbm, out_hbm,
                  idx_v, val_v, part_v, out_v, sem):
        wid = lax.axis_index("s") * 2 + lax.axis_index("c")
        base = wid * CHUNK
        pltpu.sync_copy(idx_hbm.at[pl.ds(base, CHUNK)], idx_v)
        pltpu.sync_copy(part_hbm.at[pl.ds(base, CHUNK)], part_v)
        pltpu.async_copy(tab_hbm.at[idx_v], val_v, sem).wait()
        for k in range(CHUNK // 16):
            s = pl.ds(k * 16, 16)
            out_v[s] = val_v[s] + part_v[s]
        pltpu.sync_copy(out_v, out_hbm.at[pl.ds(base, CHUNK)])

    return sc_gather


def kernel(samples, P_1, P_2_1):
    s0 = samples[:, 0, :]
    s1 = samples[:, 1, :]
    p1_2d = P_1.reshape(1, N)
    idx3, part3 = _tc_stage(s0, s1, p1_2d, P_2_1)
    flat_idx = idx3.reshape(BATCH)
    partial = part3.reshape(BATCH)
    tab = P_2_1.reshape(N * N)
    return _make_sc_gather()(tab, flat_idx, partial)

# --- scband reference (transcript-rebuilt; emitter-appended) ---
"""Pipeline reference for scband-cause-model-11433202942342 (READ-ONLY COPY).

The authoritative reference and input builder live on the scoring server;
editing this copy changes nothing except your own understanding.
"""

import jax, jax.numpy as jnp
import numpy as np

N = 1000
M = 26
NODE_1 = 0
NODE_2 = 1
BATCH = 4096


def setup_inputs(seed: int = 0) -> dict:
    key = jax.random.key(seed)
    k1, k2, k3 = jax.random.split(key, 3)
    samples = jax.random.normal(k1, (BATCH, M, N), dtype=jnp.float32)
    P_1 = jax.random.normal(k2, (N,), dtype=jnp.float32) * 0.02
    P_2_1 = jax.random.normal(k3, (N, N), dtype=jnp.float32) * 0.02
    return {"samples": samples, "P_1": P_1, "P_2_1": P_2_1}


def reference(samples, P_1, P_2_1):
    node_1_vals = jnp.argmax(samples[:, NODE_1, :], axis=-1)
    node_2_vals = jnp.argmax(samples[:, NODE_2, :], axis=-1)
    normalizer = jax.scipy.special.logsumexp(P_1, axis=0)
    marginal = jnp.take(P_1, node_1_vals, axis=0) - normalizer
    cond_normalizer = jax.scipy.special.logsumexp(P_2_1, axis=0)
    conditional = P_2_1[node_2_vals, node_1_vals] - jnp.take(cond_normalizer, node_1_vals, axis=0)
    return marginal + conditional

if __name__ == "__main__":
    import jax
    _d = setup_inputs()
    print(jax.jit(kernel)(*tuple(_d.values())))

</pallas_src>

<mosaic_0001>
#map = affine_map<(d0, d1) -> (0)>
module attributes {stable_mosaic.version = 14 : i64} {
  func.func @sc_gather(%arg0: i32, %arg1: i32, %arg2: memref<1000000xf32, #tpu.memory_space<hbm>>, %arg3: memref<4096xi32, #tpu.memory_space<hbm>>, %arg4: memref<4096xf32, #tpu.memory_space<hbm>>, %arg5: memref<4096xf32, #tpu.memory_space<hbm>>, %arg6: memref<128xi32, #tpu.memory_space<vmem>>, %arg7: memref<128xf32, #tpu.memory_space<vmem>>, %arg8: memref<128xf32, #tpu.memory_space<vmem>>, %arg9: memref<128xf32, #tpu.memory_space<vmem>>, %arg10: memref<!tpu.dma_semaphore, #tpu.memory_space<semaphore_mem>>) attributes {dimension_semantics = [#tpu.dimension_semantics<core_parallel>, #tpu.dimension_semantics<subcore_parallel>], iteration_bounds = array<i64: 2, 16>, scalar_prefetch = 0 : i64, scratch_operands = 5 : i64, tpu.core_type = #tpu.core_type<sc_vector_subcore>, window_params = [{transform_indices = #map}, {transform_indices = #map}, {transform_indices = #map}, {transform_indices = #map}]} {
    %mul3A = arith.constant 2 : i32
    %mul3A_0 = arith.muli %arg1, %mul3A : i32
    %add3A = arith.addi %mul3A_0, %arg0 : i32
    %mul3A_1 = arith.constant 128 : i32
    %mul3A_2 = arith.muli %add3A, %mul3A_1 : i32
    "tpu.region"() ({
      %run_scoped3A = tpu.sem_alloc : memref<!tpu.dma_semaphore, #tpu.memory_space<semaphore_mem>>
      %dma_start3A_91 = tpu.memref_slice %arg3[%mul3A_2] : memref<4096xi32, #tpu.memory_space<hbm>> -> memref<128xi32, #tpu.memory_space<hbm>>
      %dma_start3A_92 = tpu.memref_slice %arg3[%mul3A_2] : memref<4096xi32, #tpu.memory_space<hbm>> -> memref<128xi32, #tpu.memory_space<hbm>>
      tpu.enqueue_dma source(%dma_start3A_92 : memref<128xi32, #tpu.memory_space<hbm>>) target(%arg6 : memref<128xi32, #tpu.memory_space<vmem>>) target_semaphore(%run_scoped3A : memref<!tpu.dma_semaphore, #tpu.memory_space<semaphore_mem>>)
      %dma_wait3A_93 = tpu.memref_slice %arg3[%mul3A_2] : memref<4096xi32, #tpu.memory_space<hbm>> -> memref<128xi32, #tpu.memory_space<hbm>>
      %dma_wait3A_94 = tpu.memref_slice %arg3[%mul3A_2] : memref<4096xi32, #tpu.memory_space<hbm>> -> memref<128xi32, #tpu.memory_space<hbm>>
      tpu.wait_dma2 semaphore(%run_scoped3A : memref<!tpu.dma_semaphore, #tpu.memory_space<semaphore_mem>>) src(%dma_wait3A_94 : memref<128xi32, #tpu.memory_space<hbm>>) dst(%arg6 : memref<128xi32, #tpu.memory_space<vmem>>)
      tpu.yield
    }) : () -> ()
    "tpu.region"() ({
      %run_scoped3A = tpu.sem_alloc : memref<!tpu.dma_semaphore, #tpu.memory_space<semaphore_mem>>
      %dma_start3A_91 = tpu.memref_slice %arg4[%mul3A_2] : memref<4096xf32, #tpu.memory_space<hbm>> -> memref<128xf32, #tpu.memory_space<hbm>>
      %dma_start3A_92 = tpu.memref_slice %arg4[%mul3A_2] : memref<4096xf32, #tpu.memory_space<hbm>> -> memref<128xf32, #tpu.memory_space<hbm>>
      tpu.enqueue_dma source(%dma_start3A_92 : memref<128xf32, #tpu.memory_space<hbm>>) target(%arg8 : memref<128xf32, #tpu.memory_space<vmem>>) target_semaphore(%run_scoped3A : memref<!tpu.dma_semaphore, #tpu.memory_space<semaphore_mem>>)
      %dma_wait3A_93 = tpu.memref_slice %arg4[%mul3A_2] : memref<4096xf32, #tpu.memory_space<hbm>> -> memref<128xf32, #tpu.memory_space<hbm>>
      %dma_wait3A_94 = tpu.memref_slice %arg4[%mul3A_2] : memref<4096xf32, #tpu.memory_space<hbm>> -> memref<128xf32, #tpu.memory_space<hbm>>
      tpu.wait_dma2 semaphore(%run_scoped3A : memref<!tpu.dma_semaphore, #tpu.memory_space<semaphore_mem>>) src(%dma_wait3A_94 : memref<128xf32, #tpu.memory_space<hbm>>) dst(%arg8 : memref<128xf32, #tpu.memory_space<vmem>>)
      tpu.yield
    }) : () -> ()
    %dma_start3A = arith.constant 0 : i32
    %dma_start3A_3 = tpu.memref_slice %arg2[%dma_start3A] : memref<1000000xf32, #tpu.memory_space<hbm>> -> memref<1000000xf32, #tpu.memory_space<hbm>>
    tpu.enqueue_indirect_dma source(%dma_start3A_3 : memref<1000000xf32, #tpu.memory_space<hbm>>) target(%arg7 : memref<128xf32, #tpu.memory_space<vmem>>) offsets(%arg6 : memref<128xi32, #tpu.memory_space<vmem>>) semaphore(%arg10 : memref<!tpu.dma_semaphore, #tpu.memory_space<semaphore_mem>>)
    %dma_wait3A = arith.constant 0 : i32
    %dma_wait3A_4 = tpu.memref_slice %arg2[%dma_wait3A] : memref<1000000xf32, #tpu.memory_space<hbm>> -> memref<1000000xf32, #tpu.memory_space<hbm>>
    tpu.wait_indirect_dma semaphore(%arg10 : memref<!tpu.dma_semaphore, #tpu.memory_space<semaphore_mem>>) src(%dma_wait3A_4 : memref<1000000xf32, #tpu.memory_space<hbm>>) dst(%arg7 : memref<128xf32, #tpu.memory_space<vmem>>)
    %get3A = arith.constant 0 : index
    %get3A_5 = tpu.vector_load %arg7[%get3A] {strides = array<i32>} : memref<128xf32, #tpu.memory_space<vmem>>, vector<16xf32>,
    %get3A_6 = vector.shape_cast %get3A_5 : vector<16xf32> to vector<16xf32>
    %get3A_7 = arith.constant 0 : index
    %get3A_8 = tpu.vector_load %arg8[%get3A_7] {strides = array<i32>} : memref<128xf32, #tpu.memory_space<vmem>>, vector<16xf32>,
    %get3A_9 = vector.shape_cast %get3A_8 : vector<16xf32> to vector<16xf32>
    %add3A_10 = arith.addf %get3A_6, %get3A_9 : vector<16xf32>
    %swap3A = arith.constant 0 : index
    %swap3A_11 = tpu.vector_load %arg9[%swap3A] {strides = array<i32>} : memref<128xf32, #tpu.memory_space<vmem>>, vector<16xf32>,
    %swap3A_12 = vector.shape_cast %swap3A_11 : vector<16xf32> to vector<16xf32>
    %swap3A_13 = vector.shape_cast %add3A_10 : vector<16xf32> to vector<16xf32>
    tpu.vector_store %arg9[%swap3A], %swap3A_13 {strides = array<i32>} : memref<128xf32, #tpu.memory_space<vmem>>, vector<16xf32>,
    %get3A_14 = arith.constant 16 : index
    %get3A_15 = tpu.vector_load %arg7[%get3A_14] {strides = array<i32>} : memref<128xf32, #tpu.memory_space<vmem>>, vector<16xf32>,
    %get3A_16 = vector.shape_cast %get3A_15 : vector<16xf32> to vector<16xf32>
    %get3A_17 = arith.constant 16 : index
    %get3A_18 = tpu.vector_load %arg8[%get3A_17] {strides = array<i32>} : memref<128xf32, #tpu.memory_space<vmem>>, vector<16xf32>,
    %get3A_19 = vector.shape_cast %get3A_18 : vector<16xf32> to vector<16xf32>
    %add3A_20 = arith.addf %get3A_16, %get3A_19 : vector<16xf32>
    %swap3A_21 = arith.constant 16 : index
    %swap3A_22 = tpu.vector_load %arg9[%swap3A_21] {strides = array<i32>} : memref<128xf32, #tpu.memory_space<vmem>>, vector<16xf32>,
    %swap3A_23 = vector.shape_cast %swap3A_22 : vector<16xf32> to vector<16xf32>
    %swap3A_24 = vector.shape_cast %add3A_20 : vector<16xf32> to vector<16xf32>
    tpu.vector_store %arg9[%swap3A_21], %swap3A_24 {strides = array<i32>} : memref<128xf32, #tpu.memory_space<vmem>>, vector<16xf32>,
    %get3A_25 = arith.constant 32 : index
    %get3A_26 = tpu.vector_load %arg7[%get3A_25] {strides = array<i32>} : memref<128xf32, #tpu.memory_space<vmem>>, vector<16xf32>,
    %get3A_27 = vector.shape_cast %get3A_26 : vector<16xf32> to vector<16xf32>
    %get3A_28 = arith.constant 32 : index
    %get3A_29 = tpu.vector_load %arg8[%get3A_28] {strides = array<i32>} : memref<128xf32, #tpu.memory_space<vmem>>, vector<16xf32>,
    %get3A_30 = vector.shape_cast %get3A_29 : vector<16xf32> to vector<16xf32>
    %add3A_31 = arith.addf %get3A_27, %get3A_30 : vector<16xf32>
    %swap3A_32 = arith.constant 32 : index
    %swap3A_33 = tpu.vector_load %arg9[%swap3A_32] {strides = array<i32>} : memref<128xf32, #tpu.memory_space<vmem>>, vector<16xf32>,
    %swap3A_34 = vector.shape_cast %swap3A_33 : vector<16xf32> to vector<16xf32>
    %swap3A_35 = vector.shape_cast %add3A_31 : vector<16xf32> to vector<16xf32>
    tpu.vector_store %arg9[%swap3A_32], %swap3A_35 {strides = array<i32>} : memref<128xf32, #tpu.memory_space<vmem>>, vector<16xf32>,
    %get3A_36 = arith.constant 48 : index
    %get3A_37 = tpu.vector_load %arg7[%get3A_36] {strides = array<i32>} : memref<128xf32, #tpu.memory_space<vmem>>, vector<16xf32>,
    %get3A_38 = vector.shape_cast %get3A_37 : vector<16xf32> to vector<16xf32>
    %get3A_39 = arith.constant 48 : index
    %get3A_40 = tpu.vector_load %arg8[%get3A_39] {strides = array<i32>} : memref<128xf32, #tpu.memory_space<vmem>>, vector<16xf32>,
    %get3A_41 = vector.shape_cast %get3A_40 : vector<16xf32> to vector<16xf32>
    %add3A_42 = arith.addf %get3A_38, %get3A_41 : vector<16xf32>
    %swap3A_43 = arith.constant 48 : index
    %swap3A_44 = tpu.vector_load %arg9[%swap3A_43] {strides = array<i32>} : memref<128xf32, #tpu.memory_space<vmem>>, vector<16xf32>,
    %swap3A_45 = vector.shape_cast %swap3A_44 : vector<16xf32> to vector<16xf32>
    %swap3A_46 = vector.shape_cast %add3A_42 : vector<16xf32> to vector<16xf32>
    tpu.vector_store %arg9[%swap3A_43], %swap3A_46 {strides = array<i32>} : memref<128xf32, #tpu.memory_space<vmem>>, vector<16xf32>,
    %get3A_47 = arith.constant 64 : index
    %get3A_48 = tpu.vector_load %arg7[%get3A_47] {strides = array<i32>} : memref<128xf32, #tpu.memory_space<vmem>>, vector<16xf32>,
    %get3A_49 = vector.shape_cast %get3A_48 : vector<16xf32> to vector<16xf32>
    %get3A_50 = arith.constant 64 : index
    %get3A_51 = tpu.vector_load %arg8[%get3A_50] {strides = array<i32>} : memref<128xf32, #tpu.memory_space<vmem>>, vector<16xf32>,
    %get3A_52 = vector.shape_cast %get3A_51 : vector<16xf32> to vector<16xf32>
    %add3A_53 = arith.addf %get3A_49, %get3A_52 : vector<16xf32>
    %swap3A_54 = arith.constant 64 : index
    %swap3A_55 = tpu.vector_load %arg9[%swap3A_54] {strides = array<i32>} : memref<128xf32, #tpu.memory_space<vmem>>, vector<16xf32>,
    %swap3A_56 = vector.shape_cast %swap3A_55 : vector<16xf32> to vector<16xf32>
    %swap3A_57 = vector.shape_cast %add3A_53 : vector<16xf32> to vector<16xf32>
    tpu.vector_store %arg9[%swap3A_54], %swap3A_57 {strides = array<i32>} : memref<128xf32, #tpu.memory_space<vmem>>, vector<16xf32>,
    %get3A_58 = arith.constant 80 : index
    %get3A_59 = tpu.vector_load %arg7[%get3A_58] {strides = array<i32>} : memref<128xf32, #tpu.memory_space<vmem>>, vector<16xf32>,
    %get3A_60 = vector.shape_cast %get3A_59 : vector<16xf32> to vector<16xf32>
    %get3A_61 = arith.constant 80 : index
    %get3A_62 = tpu.vector_load %arg8[%get3A_61] {strides = array<i32>} : memref<128xf32, #tpu.memory_space<vmem>>, vector<16xf32>,
    %get3A_63 = vector.shape_cast %get3A_62 : vector<16xf32> to vector<16xf32>
    %add3A_64 = arith.addf %get3A_60, %get3A_63 : vector<16xf32>
    %swap3A_65 = arith.constant 80 : index
    %swap3A_66 = tpu.vector_load %arg9[%swap3A_65] {strides = array<i32>} : memref<128xf32, #tpu.memory_space<vmem>>, vector<16xf32>,
    %swap3A_67 = vector.shape_cast %swap3A_66 : vector<16xf32> to vector<16xf32>
    %swap3A_68 = vector.shape_cast %add3A_64 : vector<16xf32> to vector<16xf32>
    tpu.vector_store %arg9[%swap3A_65], %swap3A_68 {strides = array<i32>} : memref<128xf32, #tpu.memory_space<vmem>>, vector<16xf32>,
    %get3A_69 = arith.constant 96 : index
    %get3A_70 = tpu.vector_load %arg7[%get3A_69] {strides = array<i32>} : memref<128xf32, #tpu.memory_space<vmem>>, vector<16xf32>,
    %get3A_71 = vector.shape_cast %get3A_70 : vector<16xf32> to vector<16xf32>
    %get3A_72 = arith.constant 96 : index
    %get3A_73 = tpu.vector_load %arg8[%get3A_72] {strides = array<i32>} : memref<128xf32, #tpu.memory_space<vmem>>, vector<16xf32>,
    %get3A_74 = vector.shape_cast %get3A_73 : vector<16xf32> to vector<16xf32>
    %add3A_75 = arith.addf %get3A_71, %get3A_74 : vector<16xf32>
    %swap3A_76 = arith.constant 96 : index
    %swap3A_77 = tpu.vector_load %arg9[%swap3A_76] {strides = array<i32>} : memref<128xf32, #tpu.memory_space<vmem>>, vector<16xf32>,
    %swap3A_78 = vector.shape_cast %swap3A_77 : vector<16xf32> to vector<16xf32>
    %swap3A_79 = vector.shape_cast %add3A_75 : vector<16xf32> to vector<16xf32>
    tpu.vector_store %arg9[%swap3A_76], %swap3A_79 {strides = array<i32>} : memref<128xf32, #tpu.memory_space<vmem>>, vector<16xf32>,
    %get3A_80 = arith.constant 112 : index
    %get3A_81 = tpu.vector_load %arg7[%get3A_80] {strides = array<i32>} : memref<128xf32, #tpu.memory_space<vmem>>, vector<16xf32>,
    %get3A_82 = vector.shape_cast %get3A_81 : vector<16xf32> to vector<16xf32>
    %get3A_83 = arith.constant 112 : index
    %get3A_84 = tpu.vector_load %arg8[%get3A_83] {strides = array<i32>} : memref<128xf32, #tpu.memory_space<vmem>>, vector<16xf32>,
    %get3A_85 = vector.shape_cast %get3A_84 : vector<16xf32> to vector<16xf32>
    %add3A_86 = arith.addf %get3A_82, %get3A_85 : vector<16xf32>
    %swap3A_87 = arith.constant 112 : index
    %swap3A_88 = tpu.vector_load %arg9[%swap3A_87] {strides = array<i32>} : memref<128xf32, #tpu.memory_space<vmem>>, vector<16xf32>,
    %swap3A_89 = vector.shape_cast %swap3A_88 : vector<16xf32> to vector<16xf32>
    %swap3A_90 = vector.shape_cast %add3A_86 : vector<16xf32> to vector<16xf32>
    tpu.vector_store %arg9[%swap3A_87], %swap3A_90 {strides = array<i32>} : memref<128xf32, #tpu.memory_space<vmem>>, vector<16xf32>,
    "tpu.region"() ({
      %run_scoped3A = tpu.sem_alloc : memref<!tpu.dma_semaphore, #tpu.memory_space<semaphore_mem>>
      %dma_start3A_91 = tpu.memref_slice %arg5[%mul3A_2] : memref<4096xf32, #tpu.memory_space<hbm>> -> memref<128xf32, #tpu.memory_space<hbm>>
      %dma_start3A_92 = tpu.memref_slice %arg5[%mul3A_2] : memref<4096xf32, #tpu.memory_space<hbm>> -> memref<128xf32, #tpu.memory_space<hbm>>
      tpu.enqueue_dma source(%arg9 : memref<128xf32, #tpu.memory_space<vmem>>) target(%dma_start3A_92 : memref<128xf32, #tpu.memory_space<hbm>>) target_semaphore(%run_scoped3A : memref<!tpu.dma_semaphore, #tpu.memory_space<semaphore_mem>>)
      %dma_wait3A_93 = tpu.memref_slice %arg5[%mul3A_2] : memref<4096xf32, #tpu.memory_space<hbm>> -> memref<128xf32, #tpu.memory_space<hbm>>
      %dma_wait3A_94 = tpu.memref_slice %arg5[%mul3A_2] : memref<4096xf32, #tpu.memory_space<hbm>> -> memref<128xf32, #tpu.memory_space<hbm>>
      tpu.wait_dma2 semaphore(%run_scoped3A : memref<!tpu.dma_semaphore, #tpu.memory_space<semaphore_mem>>) src(%arg9 : memref<128xf32, #tpu.memory_space<vmem>>) dst(%dma_wait3A_94 : memref<128xf32, #tpu.memory_space<hbm>>)
      tpu.yield
    }) : () -> ()
    return
  }
}

module attributes {stable_mosaic.version = 14 : i64} {
  func.func @_tc_body(%arg0: i32, %arg1: memref<1024x1000xf32, #tpu.memory_space<vmem>>, %arg2: memref<1024x1000xf32, #tpu.memory_space<vmem>>, %arg3: memref<1x1000xf32, #tpu.memory_space<vmem>>, %arg4: memref<1000x1000xf32, #tpu.memory_space<vmem>>, %arg5: memref<1x1x1024xi32, #tpu.memory_space<vmem>>, %arg6: memref<1x1x1024xf32, #tpu.memory_space<vmem>>, %arg7: memref<1x1000xf32, #tpu.memory_space<vmem>>) attributes {dimension_semantics = [#tpu.dimension_semantics<arbitrary>], iteration_bounds = array<i64: 4>, scalar_prefetch = 0 : i64, scratch_operands = 1 : i64, tpu.core_type = #tpu.core_type<tc>, window_params = [{transform_indices = @transform_0, window_bounds = array<i64: 1024, 1000>}, {transform_indices = @transform_1, window_bounds = array<i64: 1024, 1000>}, {pipeline_mode = #tpu.pipeline_mode<synchronous>, transform_indices = @transform_2, window_bounds = array<i64: 1, 1000>}, {pipeline_mode = #tpu.pipeline_mode<synchronous>, transform_indices = @transform_3, window_bounds = array<i64: 1000, 1000>}, {transform_indices = @transform_4, window_bounds = array<i64: 1, 1, 1024>}, {transform_indices = @transform_5, window_bounds = array<i64: 1, 1, 1024>}]} {
    %eq3A = arith.constant 0 : i32
    %eq3A_0 = arith.cmpi eq, %arg0, %eq3A : i32
    %convert_element_type3A = arith.extui %eq3A_0 : i1 to i32
    %cond3A = arith.constant 0 : i32
    %cond3A_1 = arith.cmpi ne, %convert_element_type3A, %cond3A : i32
    scf.if %cond3A_1 {
      %get3A_49 = arith.constant 0 : index
      %get3A_50 = arith.constant 0 : index
      %get3A_51 = vector.load %arg4[%get3A_49, %get3A_50] : memref<1000x1000xf32, #tpu.memory_space<vmem>>, vector<1000x1000xf32>
      %exp3A = math.exp %get3A_51 : vector<1000x1000xf32>
      %reduce_sum3A_52 = arith.constant dense<0.000000e+00> : vector<1000xf32>
      %reduce_sum3A_53 = vector.multi_reduction <add>, %exp3A, %reduce_sum3A_52 [0] : vector<1000x1000xf32> to vector<1000xf32>
      %log3A = math.log %reduce_sum3A_53 : vector<1000xf32>
      %get3A_54 = arith.constant 0 : index
      %get3A_55 = arith.constant 0 : index
      %get3A_56 = vector.load %arg3[%get3A_54, %get3A_55] : memref<1x1000xf32, #tpu.memory_space<vmem>>, vector<1x1000xf32>
      %get3A_57 = vector.shape_cast %get3A_56 : vector<1x1000xf32> to vector<1000xf32>
      %reduce_max3A_58 = vector.shape_cast %get3A_57 : vector<1000xf32> to vector<1x1000xf32>
      %reduce_max3A_59 = arith.constant dense<0xFF800000> : vector<1xf32>
      %reduce_max3A_60 = vector.multi_reduction <maximumf>, %reduce_max3A_58, %reduce_max3A_59 [1] : vector<1x1000xf32> to vector<1xf32>
      %reduce_max3A_61 = vector.shape_cast %reduce_max3A_60 : vector<1xf32> to vector<1x1xf32>
      %reduce_max3A_62 = vector.extract %reduce_max3A_61[0, 0] : f32 from vector<1x1xf32>
      %sub3A = vector.broadcast %reduce_max3A_62 : f32 to vector<1000xf32>
      %sub3A_63 = arith.subf %get3A_57, %sub3A : vector<1000xf32>
      %exp3A_64 = math.exp %sub3A_63 : vector<1000xf32>
      %reduce_sum3A_65 = vector.shape_cast %exp3A_64 : vector<1000xf32> to vector<1x1000xf32>
      %reduce_sum3A_66 = arith.constant dense<0.000000e+00> : vector<1xf32>
      %reduce_sum3A_67 = vector.multi_reduction <add>, %reduce_sum3A_65, %reduce_sum3A_66 [1] : vector<1x1000xf32> to vector<1xf32>
      %reduce_sum3A_68 = vector.shape_cast %reduce_sum3A_67 : vector<1xf32> to vector<1x1xf32>
      %reduce_sum3A_69 = vector.extract %reduce_sum3A_68[0, 0] : f32 from vector<1x1xf32>
      %log3A_70 = math.log %reduce_sum3A_69 : f32
      %add3A_71 = arith.addf %reduce_max3A_62, %log3A_70 : f32
      %sub3A_72 = vector.broadcast %add3A_71 : f32 to vector<1000xf32>
      %sub3A_73 = arith.subf %get3A_57, %sub3A_72 : vector<1000xf32>
      %sub3A_74 = arith.subf %sub3A_73, %log3A : vector<1000xf32>
      %swap3A_75 = arith.constant 0 : index
      %swap3A_76 = arith.constant 0 : index
      %swap3A_77 = vector.load %arg7[%swap3A_75, %swap3A_76] : memref<1x1000xf32, #tpu.memory_space<vmem>>, vector<1x1000xf32>
      %swap3A_78 = vector.shape_cast %swap3A_77 : vector<1x1000xf32> to vector<1000xf32>
      %swap3A_79 = vector.shape_cast %sub3A_74 : vector<1000xf32> to vector<1x1000xf32>
      tpu.vector_store %arg7[%swap3A_75, %swap3A_76], %swap3A_79 {strides = array<i32>} : memref<1x1000xf32, #tpu.memory_space<vmem>>, vector<1x1000xf32>,
    } else {
    }
    %get3A = arith.constant 0 : index
    %get3A_2 = arith.constant 0 : index
    %get3A_3 = vector.load %arg1[%get3A, %get3A_2] : memref<1024x1000xf32, #tpu.memory_space<vmem>>, vector<1024x1000xf32>
    %get3A_4 = arith.constant 0 : index
    %get3A_5 = arith.constant 0 : index
    %get3A_6 = vector.load %arg2[%get3A_4, %get3A_5] : memref<1024x1000xf32, #tpu.memory_space<vmem>>, vector<1024x1000xf32>
    %iota3A = tpu.iota {dimensions = array<i32: 1>} : vector<1024x1000xi32>
    %reduce_max3A = arith.constant dense<0xFF800000> : vector<1024xf32>
    %reduce_max3A_7 = vector.multi_reduction <maximumf>, %get3A_3, %reduce_max3A [1] : vector<1024x1000xf32> to vector<1024xf32>
    %broadcast_in_dim3A = vector.shape_cast %reduce_max3A_7 : vector<1024xf32> to vector<1024x1xf32>
    %eq3A_8 = vector.broadcast %broadcast_in_dim3A : vector<1024x1xf32> to vector<1024x1000xf32>
    %eq3A_9 = arith.cmpf oeq, %get3A_3, %eq3A_8 : vector<1024x1000xf32>
    %jit3A = arith.constant 1000 : i32
    %broadcast_in_dim3A_10 = vector.broadcast %jit3A : i32 to vector<1024x1000xi32>
    %select_n3A = arith.select %eq3A_9, %iota3A, %broadcast_in_dim3A_10 : vector<1024x1000xi1>, vector<1024x1000xi32>
    %reduce_min3A = arith.constant dense<2147483647> : vector<1024xi32>
    %reduce_min3A_11 = vector.multi_reduction <minsi>, %select_n3A, %reduce_min3A [1] : vector<1024x1000xi32> to vector<1024xi32>
    %reduce_max3A_12 = arith.constant dense<0xFF800000> : vector<1024xf32>
    %reduce_max3A_13 = vector.multi_reduction <maximumf>, %get3A_6, %reduce_max3A_12 [1] : vector<1024x1000xf32> to vector<1024xf32>
    %broadcast_in_dim3A_14 = vector.shape_cast %reduce_max3A_13 : vector<1024xf32> to vector<1024x1xf32>
    %eq3A_15 = vector.broadcast %broadcast_in_dim3A_14 : vector<1024x1xf32> to vector<1024x1000xf32>
    %eq3A_16 = arith.cmpf oeq, %get3A_6, %eq3A_15 : vector<1024x1000xf32>
    %jit3A_17 = arith.constant 1000 : i32
    %broadcast_in_dim3A_18 = vector.broadcast %jit3A_17 : i32 to vector<1024x1000xi32>
    %select_n3A_19 = arith.select %eq3A_16, %iota3A, %broadcast_in_dim3A_18 : vector<1024x1000xi1>, vector<1024x1000xi32>
    %reduce_min3A_20 = arith.constant dense<2147483647> : vector<1024xi32>
    %reduce_min3A_21 = vector.multi_reduction <minsi>, %select_n3A_19, %reduce_min3A_20 [1] : vector<1024x1000xi32> to vector<1024xi32>
    %get3A_22 = arith.constant 0 : index
    %get3A_23 = arith.constant 0 : index
    %get3A_24 = vector.load %arg7[%get3A_22, %get3A_23] : memref<1x1000xf32, #tpu.memory_space<vmem>>, vector<1x1000xf32>
    %get3A_25 = vector.shape_cast %get3A_24 : vector<1x1000xf32> to vector<1000xf32>
    %broadcast_in_dim3A_26 = vector.shape_cast %reduce_min3A_11 : vector<1024xi32> to vector<1024x1xi32>
    %eq3A_27 = vector.broadcast %broadcast_in_dim3A_26 : vector<1024x1xi32> to vector<1024x1000xi32>
    %eq3A_28 = arith.cmpi eq, %iota3A, %eq3A_27 : vector<1024x1000xi32>
    %broadcast_in_dim3A_29 = vector.shape_cast %get3A_25 : vector<1000xf32> to vector<1x1000xf32>
    %jit3A_30 = arith.constant 0.000000e+00 : f32
    %broadcast_in_dim3A_31 = vector.shape_cast %broadcast_in_dim3A_29 : vector<1x1000xf32> to vector<1x1000xf32>
    %broadcast_in_dim3A_32 = vector.broadcast %broadcast_in_dim3A_31 : vector<1x1000xf32> to vector<1024x1000xf32>
    %broadcast_in_dim3A_33 = vector.broadcast %jit3A_30 : f32 to vector<1024x1000xf32>
    %select_n3A_34 = arith.select %eq3A_28, %broadcast_in_dim3A_32, %broadcast_in_dim3A_33 : vector<1024x1000xi1>, vector<1024x1000xf32>
    %reduce_sum3A = arith.constant dense<0.000000e+00> : vector<1024xf32>
    %reduce_sum3A_35 = vector.multi_reduction <add>, %select_n3A_34, %reduce_sum3A [1] : vector<1024x1000xf32> to vector<1024xf32>
    %mul3A = arith.constant 1000 : i32
    %mul3A_36 = vector.broadcast %mul3A : i32 to vector<1024xi32>
    %mul3A_37 = arith.muli %reduce_min3A_21, %mul3A_36 : vector<1024xi32>
    %add3A = arith.addi %mul3A_37, %reduce_min3A_11 : vector<1024xi32>
    %swap3A = arith.constant 0 : index
    %swap3A_38 = arith.constant 0 : index
    %swap3A_39 = arith.constant 0 : index
    %swap3A_40 = vector.load %arg5[%swap3A, %swap3A_38, %swap3A_39] : memref<1x1x1024xi32, #tpu.memory_space<vmem>>, vector<1x1x1024xi32>
    %swap3A_41 = vector.shape_cast %swap3A_40 : vector<1x1x1024xi32> to vector<1024xi32>
    %swap3A_42 = vector.shape_cast %add3A : vector<1024xi32> to vector<1x1x1024xi32>
    tpu.vector_store %arg5[%swap3A, %swap3A_38, %swap3A_39], %swap3A_42 {strides = array<i32>} : memref<1x1x1024xi32, #tpu.memory_space<vmem>>, vector<1x1x1024xi32>,
    %swap3A_43 = arith.constant 0 : index
    %swap3A_44 = arith.constant 0 : index
    %swap3A_45 = arith.constant 0 : index
    %swap3A_46 = vector.load %arg6[%swap3A_43, %swap3A_44, %swap3A_45] : memref<1x1x1024xf32, #tpu.memory_space<vmem>>, vector<1x1x1024xf32>
    %swap3A_47 = vector.shape_cast %swap3A_46 : vector<1x1x1024xf32> to vector<1024xf32>
    %swap3A_48 = vector.shape_cast %reduce_sum3A_35 : vector<1024xf32> to vector<1x1x1024xf32>
    tpu.vector_store %arg6[%swap3A_43, %swap3A_44, %swap3A_45], %swap3A_48 {strides = array<i32>} : memref<1x1x1024xf32, #tpu.memory_space<vmem>>, vector<1x1x1024xf32>,
    return
  }
  func.func @transform_0(%arg0: i32) -> (i32, i32) {
    %c0_i32 = arith.constant 0 : i32
    %c0_i32_0 = arith.constant 0 : i32
    return %arg0, %c0_i32 : i32, i32
  }
  func.func @transform_1(%arg0: i32) -> (i32, i32) {
    %c0_i32 = arith.constant 0 : i32
    %c0_i32_0 = arith.constant 0 : i32
    return %arg0, %c0_i32 : i32, i32
  }
  func.func @transform_2(%arg0: i32) -> (i32, i32) {
    %c0_i32 = arith.constant 0 : i32
    %c0_i32_0 = arith.constant 0 : i32
    %c0_i32_1 = arith.constant 0 : i32
    return %c0_i32, %c0_i32_0 : i32, i32
  }
  func.func @transform_3(%arg0: i32) -> (i32, i32) {
    %c0_i32 = arith.constant 0 : i32
    %c0_i32_0 = arith.constant 0 : i32
    %c0_i32_1 = arith.constant 0 : i32
    return %c0_i32, %c0_i32_0 : i32, i32
  }
  func.func @transform_4(%arg0: i32) -> (i32, i32, i32) {
    %c0_i32 = arith.constant 0 : i32
    %c0_i32_0 = arith.constant 0 : i32
    %c0_i32_1 = arith.constant 0 : i32
    return %arg0, %c0_i32, %c0_i32_0 : i32, i32, i32
  }
  func.func @transform_5(%arg0: i32) -> (i32, i32, i32) {
    %c0_i32 = arith.constant 0 : i32
    %c0_i32_0 = arith.constant 0 : i32
    %c0_i32_1 = arith.constant 0 : i32
    return %arg0, %c0_i32, %c0_i32_0 : i32, i32, i32
  }
}

</mosaic_0001>

<sc_bundles>
// kernel: kernel.4.cloned.1.call-start
scs
__scs_entry_jumppad:
0x0: {  	(pc) =	sbr.rel $0x88, $3  }
0x1: {  	(tag) =	ssettag $0x0;
	lr =	simm.s32 $0x1  }
0x2: {  	[smem:$0x3F9E] =	sst lr;
	_ =	strace $0xD0000000  }
0x3: {  	_ = 	snop  }
0x4: {  	_ = 	snop  }
0x5: {  	_ = 	snop  }
0x6: {  	_ = 	snop  }
0x7: {  	_ = 	snop  }
__scs_overlays_trampoline_lowered:
0x8: {  	[smem:$0x3FAD] =	sst s0  }
0x9: {  	[smem:$0x3FAE] =	sst s1  }
0xa: {  	[smem:$0x3FAF] =	sst s2  }
0xb: {  	[smem:$0x3FB0] =	sst s3  }
0xc: {  	[smem:$0x3FB1] =	sst s4  }
0xd: {  	[smem:$0x3FB2] =	sst s5  }
0xe: {  	[smem:$0x3FB3] =	sst s6  }
0xf: {  	[smem:$0x3FB4] =	sst s7  }
0x10: {  	[smem:$0x3FB5] =	sst s8  }
0x11: {  	[smem:$0x3FB6] =	sst s9;
	s0 =	simm.s32 @!p0 $0x0  }
0x12: {  	s1 =	sld [smem:$0x3F9C];
	s0 =	simm.s32 @p0 $0x1  }
0x13: {  	[smem:$0x3FB7] =	sst s0;
	s0 =	simm.s32 @!p1 $0x0  }
0x14: {  	s2 =	sld [smem:$0x3F9B];
	s0 =	simm.s32 @p1 $0x1  }
0x15: {  	[smem:$0x3FB8] =	sst s0;
	s0 =	simm.s32 @!p2 $0x0  }
0x16: {  	s3 =	sld [smem:$0x3FDB];
	s0 =	simm.s32 @p2 $0x1  }
0x17: {  	s4 =	simm.s32 $0x1BF5;
	[smem:$0x3FBA] =	sst s0  }
0x18: {  	s0 =	sld [smem:$0x3F9D];
	_ =	swait.ge [sflag:s4], $0x0  }
0x19: {  	s7 =	sld [smem:$0x3F9E]  }
0x1a: {  	s8 =	sadd.s32 $0xFFFFE003, lr  }
0x1b: {  	s9 =	sadd.s32 $0xFFFFFEF7, lr;
	s5 =	simm.s32 $0xFFFFFFFF;
	p2 =	slt.u32 s8, $0xFFFFF086  }
0x1c: {  	p1 =	slt.u32 s9, $0xF7A;
	s5 =	simm.s32 @!p2 $0x0  }
0x1d: {  	s5 =	simm.s32 @p1 $0x1;
	p0 =	seq.s32 s7, s2  }
0x1e: {  	s7 =	smul.u32 @!p0 $0xF7A, s2;
	p2 =	seq.s32 @!p0 s5, $0x0  }
0x1f: {  	s9 =	smul.u32 $0xF7A, s1;
	s8 =	simm.s32 @!p0 $0x1BF5;
	p2 =	por !p2, p0  }
0x20: {  	[sflag:s8] =	ssyncset.s32 @!p0 $0xFFFFF086;
	s6 =	sadd.s32 @!p0 s3, s7;
	s7 =	simm.s32 @!p0 $0x108  }
0x21: {  	s3 =	sadd.s32 s3, s9;
	s6 =	sadd.s32 @!p0 $0x88, s6;
	s7 =	simm.s32 @p2 $0x1082  }
0x22: {  	[simem:s7], [sflag:s8] =	dma.local @!p0 [hbm:s6], $0xF7A  }
0x23: {  	s9 =	sor.u32 $0xD0000000, s2;
	s6 =	simm.s32 $0x108;
	_ =	swait.ge @!p0 [sflag:s8], $0x0  }
0x24: {  	s3 =	sadd.s32 $0x88, s3;
	s6 =	simm.s32 @!p1 $0x1082;
	[sflag:s4] =	ssyncset.s32 $0xFFFFF086  }
0x25: {  	[simem:s6], [sflag:s4] =	dma.local [hbm:s3], $0xF7A  }
0x26: {  	[smem:$0x3F9E] =	sst s1;
	(tag) =	ssettag s2;
	_ =	strace s9  }
0x27: {  	s1 =	sld [smem:$0x3FAE]  }
0x28: {  	s2 =	sld [smem:$0x3FAF]  }
0x29: {  	s4 =	sld [smem:$0x3FB1]  }
0x2a: {  	p0 =	seq.s32 s5, $0x0;
	s5 =	sld [smem:$0x3FB2]  }
0x2b: {  	s6 =	sld [smem:$0x3FB3]  }
0x2c: {  	s7 =	sld [smem:$0x3FB4]  }
0x2d: {  	s3 =	simm.s32 $0x108;
	s8 =	sld [smem:$0x3FB5]  }
0x2e: {  	s3 =	simm.s32 @!p0 $0x1082;
	s9 =	sld [smem:$0x3FB6]  }
0x2f: {  	lr =	sadd.s32 s0, s3;
	s0 =	sld [smem:$0x3FAD]  }
0x30: {  	s3 =	sld [smem:$0x3FB0]  }
0x31: {  	[smem:$0x3FB9] =	sst s10  }
0x32: {  	s10 =	sld [smem:$0x3FB7];
	_ =	sdelay $0x3  }
0x33: {  	p0 =	seq.s32 s10, $0x1;
	s10 =	sld [smem:$0x3FB9];
	_ =	sdelay $0x3  }
0x34: {  	[smem:$0x3FB9] =	sst s10  }
0x35: {  	s10 =	sld [smem:$0x3FB8];
	_ =	sdelay $0x3  }
0x36: {  	p1 =	seq.s32 s10, $0x1;
	s10 =	sld [smem:$0x3FB9];
	_ =	sdelay $0x3  }
0x37: {  	[smem:$0x3FB9] =	sst s10  }
0x38: {  	s10 =	sld [smem:$0x3FBA]  }
0x39: {  	_ = 	snop;
	(pc) =	sbr.ind lr, $3  }
0x3a: {  	_ = 	snop  }
0x3b: {  	_ = 	snop  }
0x3c: {  	p2 =	seq.s32 s10, $0x1;
	s10 =	sld [smem:$0x3FB9]  }
0x3d: {  	_ =	shalt  }
0x3e: {  	_ =	shalt  }
0x3f: {  	_ =	shalt  }
0x40: {  	_ =	shalt  }
0x41: {  	_ =	shalt  }
0x42: {  	_ =	shalt  }
0x43: {  	_ =	shalt  }
0x44: {  	_ =	shalt  }
0x45: {  	_ =	shalt  }
0x46: {  	_ =	shalt  }
0x47: {  	_ =	shalt  }
0x48: {  	_ =	shalt  }
0x49: {  	_ =	shalt  }
0x4a: {  	_ =	shalt  }
0x4b: {  	_ =	shalt  }
0x4c: {  	_ =	shalt  }
0x4d: {  	_ =	shalt  }
0x4e: {  	_ =	shalt  }
0x4f: {  	_ =	shalt  }
0x50: {  	_ =	shalt  }
0x51: {  	_ =	shalt  }
0x52: {  	_ =	shalt  }
0x53: {  	_ =	shalt  }
0x54: {  	_ =	shalt  }
0x55: {  	_ =	shalt  }
0x56: {  	_ =	shalt  }
0x57: {  	_ =	shalt  }
0x58: {  	_ =	shalt  }
0x59: {  	_ =	shalt  }
0x5a: {  	_ =	shalt  }
0x5b: {  	_ =	shalt  }
0x5c: {  	_ =	shalt  }
0x5d: {  	_ =	shalt  }
0x5e: {  	_ =	shalt  }
0x5f: {  	_ =	shalt  }
0x60: {  	_ =	shalt  }
0x61: {  	_ =	shalt  }
0x62: {  	_ =	shalt  }
0x63: {  	_ =	shalt  }
0x64: {  	_ =	shalt  }
0x65: {  	_ =	shalt  }
0x66: {  	_ =	shalt  }
0x67: {  	_ =	shalt  }
0x68: {  	_ =	shalt  }
0x69: {  	_ =	shalt  }
0x6a: {  	_ =	shalt  }
0x6b: {  	_ =	shalt  }
0x6c: {  	_ =	shalt  }
0x6d: {  	_ =	shalt  }
0x6e: {  	_ =	shalt  }
0x6f: {  	_ =	shalt  }
0x70: {  	_ =	shalt  }
0x71: {  	_ =	shalt  }
0x72: {  	_ =	shalt  }
0x73: {  	_ =	shalt  }
0x74: {  	_ =	shalt  }
0x75: {  	_ =	shalt  }
0x76: {  	_ =	shalt  }
0x77: {  	_ =	shalt  }
0x78: {  	_ =	shalt  }
0x79: {  	_ =	shalt  }
0x7a: {  	_ =	shalt  }
0x7b: {  	_ =	shalt  }
0x7c: {  	_ =	shalt  }
0x7d: {  	_ =	shalt  }
0x7e: {  	_ =	shalt  }
0x7f: {  	_ =	shalt  }
0x80: {  	_ =	shalt  }
0x81: {  	_ =	shalt  }
0x82: {  	_ =	shalt  }
0x83: {  	_ =	shalt  }
0x84: {  	_ =	shalt  }
0x85: {  	_ =	shalt  }
0x86: {  	_ =	shalt  }
0x87: {  	_ =	shalt  }
.Lfunc_end0:
.L_simem_size_0:
called_computation_lowered:
.L_overlay_start_0:
0x88: {  	s2 =	sld [smem:$0x3FD9]  }
0x89: {  	s3 =	sld [smem:$0x3FFE];
	_ =	sdelay $0x1  }
0x8a: {  	s1 =	srdreg.scid  }
0x8b: {  	s0 =	sand.u32 $0x1, s1  }
0x8c: {  	s17 =	sshll.u32 s0, $0xA;
	s2 =	sadd.s32 s3, s2  }
0x8d: {  	s2 =	sadd.s32 s2, s17  }
0x8e: {  	[smem:$0x3FC5] =	sst s2  }
0x8f: {  	_ = 	snop  }
0x90: {  	s2 =	sld [smem:$0x3FD0];
	(tm) =	ssettm $0x1  }
0x91: {  	s18 =	sld [smem:$0x3FFB];
	_ =	sdelay $0x3  }
0x92: {  	_ =	strace s18  }
0x93: {  	s3 =	sld [smem:$0x3FFC];
	_ =	sdelay $0x3  }
0x94: {  	_ =	strace s3  }
0x95: {  	s3 =	sld [smem:$0x3FFD];
	_ =	sdelay $0x3  }
0x96: {  	_ =	strace s3  }
0x97: {  	_ =	strace $0x8FFFFFFF  }
0x98: {  	s19 =	sld [smem:$0x3FDB];
	_ =	sdelay $0x1  }
0x99: {  	s4 =	simm.s32 $_scs_section_size  }
0x9a: {  	s5 =	simm.s32 $_size__tile_overlayer_lowered;
	s6 =	simm.s32 $_tile_overlayer_lowered  }
0x9b: {  	s22 =	simm.s32 $0x1BFF;
	s21 =	sshll.u32 s6, $0x1;
	s3 =	sadd.s32 s4, s19  }
0x9c: {  	s7 =	simm.s32 $0x0;
	s20 =	sshll.u32 s5, $0x1;
	s5 =	sadd.s32 s21, s3  }
0x9d: {  	[timem:s7], [sflag:s22] =	dma.local [hbm:s5], s20  }
0x9e: {  	_ =	swait.ge [sflag:s22], s20  }
0x9f: {  	s4 =	ssub.s32 $0x0, s20;
	[sflag:s22] =	ssyncset.done $0x0  }
0xa0: {  	[sflag:s22] =	ssyncadd.s32 s4;
	_ =	sdelay $0x1  }
0xa1: {  	s23 =	simm.s32 $0x1B8B  }
0xa2: {  	_ =	swait.ge [sflag:s23], $0x1  }
0xa3: {  	[sflag:s23] =	ssyncset.done $0x0  }
0xa4: {  	s25 =	simm.s32 $0x1B8E;
	s24 =	sld [smem:$0x3FFE];
	[sflag:s23] =	ssyncadd.s32 $0xFFFFFFFF  }
0xa5: {  	s26 =	simm.s32 $execute0_lowered;
	[smem:$0x3FD2] =	sst s25  }
0xa6: {  	s5 =	sshll.u32 s26, $0x1;
	_ =	strace $0x80000046;
	[dreg:$0x1] =	wrdreg $0xFFFFFFFF  }
0xa7: {  	s28 =	simm.s32 $_size_execute0_lowered;
	s3 =	sadd.s32 s3, s5;
	[dreg:$0x0] =	wrdreg $0x0  }
0xa8: {  	s5 =	sshll.u32 s28, $0x1;
	[dreg:$0x2] =	wrdreg s3  }
0xa9: {  	[dreg:$0x3] =	wrdreg s5  }
0xaa: {  	[dreg:$0x4] =	wrdreg $0xC0  }
0xab: {  	_ =	task [dreg:s7], $0x5FFFF  }
0xac: {  	[dreg:$0x1] =	wrdreg $0xFFFFFFFF  }
0xad: {  	[dreg:$0x0] =	wrdreg $0x60  }
0xae: {  	[dreg:$0x2] =	wrdreg s24  }
0xaf: {  	[dreg:$0x3] =	wrdreg s2  }
0xb0: {  	[dreg:$0x4] =	wrdreg $0x9  }
0xb1: {  	_ =	task.clear_ibuf [dreg:s7], $0x5FFFF;
	_ =	strace $0x90000046  }
0xb2: {  	s29 =	simm.s32 $0x9;
	_ =	strace $0x80000048  }
0xb3: {  	_ =	swait.ge [sflag:s29], $0x1  }
0xb4: {  	[sflag:s29] =	ssyncadd.s32 $0xFFFFFFFF  }
0xb5: {  	_ =	strace $0x90000048  }
0xb6: {  	_ =	sfence  }
0xb7: {  	s30 =	sld [smem:$0x0];
	_ =	sdelay $0x2  }
0xb8: {  	s31 =	sshll.u32 s1, $0xD;
	s1 =	sshrl.u32 s1, $0x2  }
0xb9: {  	s3 =	sand.u32 $0x4000, s31;
	s1 =	sadd.s32 s1, s30  }
0xba: {  	s0 =	sor.u32 s3, s0;
	s1 =	sshll.u32 s1, $0x11  }
0xbb: {  	s0 =	sor.u32 s1, s0  }
0xbc: {  	s0 =	sadd.s32 $0x8F2B, s0  }
0xbd: {  	[sflag:s0] =	ssyncadd.remote.s32 $0x1  }
0xbe: {  	_ =	sfence.sel $0xFFFF  }
0xbf: {  	[dreg:$0x0] =	wrdreg $0xFFFFFFFF;
	(pc) =	sbr.abs _section_cstart, $3  }
0xc0: {  	[dreg:$0x1] =	wrdreg $0xFFFFFFFF  }
0xc1: {  	_ =	task.clear_ibuf [dreg:s7], $0x2FFFF;
	_ =	strace $0x9FFFFFFF  }
0xc2: {  	(tm) =	ssettm $0x7FFFFFFF  }
0xc3: {  	_ =	shalt  }
tec
execute0_lowered:
.L_overlay_start_1:
0x0: {  	(tag) =	ssettag $0x1  }
0x1: {  	s5 =	srdreg.scid  }
0x2: {  	s5 =	sand.u32 $0x1, s5  }
0x3: {  	s3 =	rddreg [dreg:$0x0];
	s7 =	sshll.u32 s5, $0x4;
	s5 =	ssub.s32 $0x2, s5  }
0x4: {  	s4 =	rddreg [dreg:$0x1];
	s8 =	sshrl.u32 s5, $0x1  }
0x5: {  	s0 =	rddreg [dreg:$0x2];
	s5 =	ssub.s32 s5, s8  }
0x6: {  	s2 =	simm.s32 $0x0;
	s1 =	stileid.u32;
	s12 =	smax.u32 s5, $0x1  }
0x7: {  	s11 =	simm.s32 $0x100;
	s9 =	simm.s32 $0x80;
	p1 =	sne.s32 s12, $0x1  }
.Ltmp0:
0x8: {  	[smem:$0x7FF] =	sst s2;
	s6 =	sshll.u32 s1, $0x5;
	(pc) =	sbr.rel @!p1 .LBB2_3-.Ltmp0, $4  }
0x9: {  	p0 =	por $0x0, $0x0;
	_ =	strace $0x80000047;
	s7 =	sor.u32 s7, s6  }
0xa: {  	s6 =	sadd.s32 $0x1000, s3;
	s3 =	sadd.s32 s7, s3;
	s4 =	sadd.s32 s4, s7  }
0xb: {  	s7 =	simm.s32 $0x1;
	s10 =	sadd.s32 $0x1FA00, s3;
	s8 =	sadd.s32 $0x1FC00, s3  }
0xc: {  	s3 =	simm.s32 $0x2;
	s5 =	simm.s32 $0x180;
	s12 =	sadd.s32 $0xFFFFFFFF, s12  }
0xd: {  	[tilespmem:s2], [sflag:$0x2] =	stream.linear.gather [hbm4b:s10+s2], $0x80, $0x38;
	[tilespmem:$0x200] =	vst v63  }
0xe: {  	_ =	swait.ge [sflag:s3], $0x80  }
0xf: {  	[sflag:s3] =	ssyncset.done $0x0  }
0x10: {  	[sflag:s3] =	ssyncadd.s32 $0xFFFFFF80  }
0x11: {  	[tilespmem:s11], [sflag:$0x2] =	stream.linear.gather [hbm4b:s8+s2], $0x80, $0x38;
	[tilespmem:$0x200] =	vst v63  }
0x12: {  	_ =	swait.ge [sflag:s3], $0x80  }
0x13: {  	[sflag:s3] =	ssyncset.done $0x0  }
0x14: {  	[sflag:s3] =	ssyncadd.s32 $0xFFFFFF80  }
0x15: {  	[tilespmem:s9], [sflag:$0x1] =	stream.indirect.gather [hbm4b:s6+s9], $0x1, s2, s9, $0xb8;
	[tilespmem:$0x200] =	vst v63  }
0x16: {  	_ =	swait.ge [sflag:s7], $0x80  }
0x17: {  	[sflag:s7] =	ssyncset.done $0x0  }
0x18: {  	[sflag:s7] =	ssyncadd.s32 $0xFFFFFF80  }
0x19: {  	v0 =	vld [tilespmem:$0x140]  }
0x1a: {  	v1 =	vld [tilespmem:$0x170]  }
0x1b: {  	v2 =	vld [tilespmem:$0xF0]  }
0x1c: {  	v3 =	vld [tilespmem:$0x150]  }
0x1d: {  	v4 =	vld [tilespmem:$0xD0]  }
0x1e: {  	v5 =	vld [tilespmem:$0x130]  }
0x1f: {  	v6 =	vld [tilespmem:$0x160]  }
0x20: {  	v7 =	vld [tilespmem:$0xC0]  }
0x21: {  	v8 =	vld [tilespmem:$0x110]  }
0x22: {  	v9 =	vld [tilespmem:$0xA0]  }
0x23: {  	v10 =	vld [tilespmem:$0xB0]  }
0x24: {  	v11 =	vld [tilespmem:$0x120]  }
0x25: {  	v62 =	vld [tilespmem:$0x90]  }
0x26: {  	v63 =	vld [tilespmem:$0x100];
	v1 =	vadd.f32 v1, v2  }
0x27: {  	v2 =	vld [tilespmem:$0xE0];
	v3 =	vadd.f32 v3, v4  }
0x28: {  	v0 =	vadd.f32 v0, v7;
	[tilespmem:$0x1F0] =	vst v1;
	v1 =	vld [tilespmem:$0x80]  }
0x29: {  	p1 =	sne.s32 s12, $0x1;
	[tilespmem:$0x1D0] =	vst v3;
	v3 =	vadd.f32 v5, v10  }
.Ltmp1:
0x2a: {  	[tilespmem:$0x1C0] =	vst v0;
	v0 =	vadd.f32 v11, v9;
	(pc) =	sbr.rel @!p1 .LBB2_3-.Ltmp1, $4  }
0x2b: {  	[tilespmem:$0x1B0] =	vst v3;
	v3 =	vadd.f32 v8, v62  }
0x2c: {  	[tilespmem:$0x1A0] =	vst v0;
	v2 =	vadd.f32 v6, v2  }
0x2d: {  	[tilespmem:$0x190] =	vst v3;
	v0 =	vadd.f32 v63, v1  }
0x2e: {  	s12 =	sadd.s32 $0xFFFFFFFF, s12;
	p0 =	por $0x1, $0x1;
	[tilespmem:$0x1E0] =	vst v2  }
.LBB2_2:
0x2f: {  	p1 =	sne.s32 s12, $0x1;
	s12 =	sadd.s32 $0xFFFFFFFF, s12;
	[tilespmem:$0x180] =	vst v0  }
0x30: {  	[hbm4b:s4+s2] =	stream.linear.scatter [tilespmem:s5], [sflag:$0x2], $0x80, $0x38;
	[tilespmem:$0x200] =	vst v63  }
0x31: {  	_ =	swait.ge [sflag:s3], $0x80  }
0x32: {  	[sflag:s3] =	ssyncset.done $0x0  }
0x33: {  	[sflag:s3] =	ssyncadd.s32 $0xFFFFFF80  }
0x34: {  	[tilespmem:s2], [sflag:$0x2] =	stream.linear.gather [hbm4b:s10+s2], $0x80, $0x38;
	[tilespmem:$0x200] =	vst v63  }
0x35: {  	_ =	swait.ge [sflag:s3], $0x80  }
0x36: {  	[sflag:s3] =	ssyncset.done $0x0  }
0x37: {  	[sflag:s3] =	ssyncadd.s32 $0xFFFFFF80  }
0x38: {  	[tilespmem:s11], [sflag:$0x2] =	stream.linear.gather [hbm4b:s8+s2], $0x80, $0x38;
	[tilespmem:$0x200] =	vst v63  }
0x39: {  	_ =	swait.ge [sflag:s3], $0x80  }
0x3a: {  	[sflag:s3] =	ssyncset.done $0x0  }
0x3b: {  	[sflag:s3] =	ssyncadd.s32 $0xFFFFFF80  }
0x3c: {  	[tilespmem:s9], [sflag:$0x1] =	stream.indirect.gather [hbm4b:s6+s9], $0x1, s2, s9, $0xb8;
	[tilespmem:$0x200] =	vst v63  }
0x3d: {  	_ =	swait.ge [sflag:s7], $0x80  }
0x3e: {  	[sflag:s7] =	ssyncset.done $0x0  }
0x3f: {  	[sflag:s7] =	ssyncadd.s32 $0xFFFFFF80  }
0x40: {  	v0 =	vld [tilespmem:$0x140]  }
0x41: {  	v1 =	vld [tilespmem:$0x170]  }
0x42: {  	v2 =	vld [tilespmem:$0xF0]  }
0x43: {  	v3 =	vld [tilespmem:$0x150]  }
0x44: {  	v4 =	vld [tilespmem:$0xD0]  }
0x45: {  	v5 =	vld [tilespmem:$0x130]  }
0x46: {  	v6 =	vld [tilespmem:$0x160]  }
0x47: {  	v7 =	vld [tilespmem:$0xC0];
	v1 =	vadd.f32 v1, v2  }
0x48: {  	v2 =	vld [tilespmem:$0x110]  }
0x49: {  	v8 =	vld [tilespmem:$0xA0];
	v3 =	vadd.f32 v3, v4;
	[tilespmem:$0x1F0] =	vst v1  }
0x4a: {  	v1 =	vld [tilespmem:$0x80]  }
0x4b: {  	v4 =	vld [tilespmem:$0xB0];
	[tilespmem:$0x1D0] =	vst v3  }
0x4c: {  	v3 =	vld [tilespmem:$0x120];
	v0 =	vadd.f32 v0, v7  }
0x4d: {  	v7 =	vld [tilespmem:$0xE0]  }
0x4e: {  	v9 =	vld [tilespmem:$0x90];
	[tilespmem:$0x1C0] =	vst v0  }
0x4f: {  	v0 =	vld [tilespmem:$0x100]  }
0x50: {  	v4 =	vadd.f32 v5, v4  }
.Ltmp2:
0x51: {  	v3 =	vadd.f32 v3, v8;
	(pc) =	sbr.rel @p1 .LBB2_2-.Ltmp2, $4  }
0x52: {  	[tilespmem:$0x1B0] =	vst v4;
	v4 =	vadd.f32 v6, v7  }
0x53: {  	v2 =	vadd.f32 v2, v9;
	[tilespmem:$0x1A0] =	vst v3  }
0x54: {  	v0 =	vadd.f32 v0, v1;
	[tilespmem:$0x1E0] =	vst v4  }
0x55: {  	[tilespmem:$0x190] =	vst v2  }
.LBB2_3:
0x56: {  	[tilespmem:$0x180] =	vst @p0 v0  }
0x57: {  	[hbm4b:s4+s2] =	stream.linear.scatter @p0 [tilespmem:s5], [sflag:$0x2], $0x80, $0x38;
	[tilespmem:$0x200] =	vst v63  }
0x58: {  	_ =	swait.ge @p0 [sflag:s3], $0x80  }
0x59: {  	[sflag:s3] =	ssyncset.done @p0 $0x0  }
0x5a: {  	[sflag:s3] =	ssyncadd.s32 @p0 $0xFFFFFF80  }
0x5b: {  	[tilespmem:s2], [sflag:$0x2] =	stream.linear.gather [hbm4b:s10+s2], $0x80, $0x38;
	[tilespmem:$0x200] =	vst v63  }
0x5c: {  	_ =	swait.ge [sflag:s3], $0x80  }
0x5d: {  	[sflag:s3] =	ssyncset.done $0x0  }
0x5e: {  	[sflag:s3] =	ssyncadd.s32 $0xFFFFFF80  }
0x5f: {  	[tilespmem:s11], [sflag:$0x2] =	stream.linear.gather [hbm4b:s8+s2], $0x80, $0x38;
	[tilespmem:$0x200] =	vst v63  }
0x60: {  	_ =	swait.ge [sflag:s3], $0x80  }
0x61: {  	[sflag:s3] =	ssyncset.done $0x0  }
0x62: {  	[sflag:s3] =	ssyncadd.s32 $0xFFFFFF80  }
0x63: {  	[tilespmem:s9], [sflag:$0x1] =	stream.indirect.gather [hbm4b:s6+s9], $0x1, s2, s9, $0xb8;
	[tilespmem:$0x200] =	vst v63  }
0x64: {  	_ =	swait.ge [sflag:s7], $0x80  }
0x65: {  	[sflag:s7] =	ssyncset.done $0x0  }
0x66: {  	[sflag:s7] =	ssyncadd.s32 $0xFFFFFF80  }
0x67: {  	v56 =	vld [tilespmem:$0x140]  }
0x68: {  	v1 =	vld [tilespmem:$0x170]  }
0x69: {  	v2 =	vld [tilespmem:$0xF0]  }
0x6a: {  	v3 =	vld [tilespmem:$0x150]  }
0x6b: {  	v4 =	vld [tilespmem:$0xD0]  }
0x6c: {  	v5 =	vld [tilespmem:$0x130]  }
0x6d: {  	v6 =	vld [tilespmem:$0x160]  }
0x6e: {  	v7 =	vld [tilespmem:$0xC0]  }
0x6f: {  	v8 =	vld [tilespmem:$0x110]  }
0x70: {  	v9 =	vld [tilespmem:$0xA0]  }
0x71: {  	v10 =	vld [tilespmem:$0x80]  }
0x72: {  	v11 =	vld [tilespmem:$0xB0]  }
0x73: {  	v12 =	vld [tilespmem:$0x120]  }
0x74: {  	v57 =	vld [tilespmem:$0xE0];
	v1 =	vadd.f32 v1, v2  }
0x75: {  	v58 =	vld [tilespmem:$0x90];
	v3 =	vadd.f32 v3, v4  }
0x76: {  	v59 =	vld [tilespmem:$0x100];
	v0 =	vadd.f32 v56, v7;
	[tilespmem:$0x1F0] =	vst v1  }
0x77: {  	v60 =	vadd.f32 v5, v11;
	[tilespmem:$0x1D0] =	vst v3  }
0x78: {  	v61 =	vadd.f32 v12, v9;
	[tilespmem:$0x1C0] =	vst v0  }
0x79: {  	v2 =	vadd.f32 v6, v57;
	[tilespmem:$0x1B0] =	vst v60  }
0x7a: {  	v62 =	vadd.f32 v8, v58;
	[tilespmem:$0x1A0] =	vst v61  }
0x7b: {  	v63 =	vadd.f32 v59, v10;
	[tilespmem:$0x1E0] =	vst v2  }
0x7c: {  	[tilespmem:$0x190] =	vst v62  }
0x7d: {  	[tilespmem:$0x180] =	vst v63  }
0x7e: {  	[hbm4b:s4+s2] =	stream.linear.scatter [tilespmem:s5], [sflag:$0x2], $0x80, $0x38;
	[tilespmem:$0x200] =	vst v63  }
0x7f: {  	_ =	swait.ge [sflag:s3], $0x80  }
0x80: {  	[sflag:s3] =	ssyncset.done $0x0  }
0x81: {  	[sflag:s3] =	ssyncadd.s32 $0xFFFFFF80  }
0x82: {  	_ =	sfence.sel $0x180000  }
0x83: {  	[bflag:$0x0] =	sbarrier.arrive $0xFFFF  }
0x84: {  	p0 =	sne.s32 s1, $0x0;
	_ =	strace $0x90000047  }
0x85: {  	s0 =	sadd.s32 @!p0 $0x100000, s0;
	[bflag:$0x2] =	sbarrier.arrive $0xFFFF  }
0x86: {  	[sflag:s0] =	ssyncadd.tile.s32 @!p0 $0x1;
	_ =	shalt  }
.Lfunc_end2:
_tile_overlayer_lowered:
.L_overlay_start_2:
0x87: {  	(tag) =	ssettag $0x2  }
0x88: {  	s0 =	rddreg [dreg:$0x0];
	s2 =	stileid.u32  }
0x89: {  	s1 =	rddreg [dreg:$0x1];
	p0 =	sne.s32 s2, $0x0  }
0x8a: {  	s3 =	rddreg [dreg:$0x2];
	[bflag:$0x3] =	sbarrier.arrive $0xFFFF;
	s2 =	simm.s32 @!p0 $0x1C02  }
0x8b: {  	[timem:s3], [sflag:s2] =	dma.local @!p0 [hbm:s0], s1  }
0x8c: {  	s0 =	simm.s32 @!p0 $0x2  }
0x8d: {  	_ =	swait.ge @!p0 [sflag:s0], s1  }
0x8e: {  	s1 =	ssub.s32 @!p0 $0x0, s1;
	[sflag:s0] =	ssyncset.done @!p0 $0x0  }
0x8f: {  	[sflag:s0] =	ssyncadd.s32 @!p0 s1  }
0x90: {  	[bflag:$0x3] =	sbarrier.arrive $0xFFFF  }
0x91: {  	_ =	shalt  }

</sc_bundles>
